<compile_context>
chip_gen: v7x
topology: tpu7x:2x2x1
jax: 0.10.2.dev20260603
libtpu: 0.0.44.dev20260713+nightly
codegen_flags: <defaults>
</compile_context>

<pallas_src>
import functools

import jax
import jax.numpy as jnp
from jax import lax
from jax.experimental import pallas as pl
from jax.experimental.pallas import tpu as pltpu
from jax.experimental.pallas import tpu_sc as plsc

_K = 8192
_D = 32
_CF = 0.1
_TOK = 4096
_TOK_BLK = 1024
_K_BLK = 1024
_NC = 2
_NS = 16
_NW = _NC * _NS
_B_W = _TOK // _NW
_BIG = 2**30


def _tc_body(zn_ref, z_ref, emb_ref, en_ref, idx_ref, loss_ref):
    t = pl.program_id(0)
    flat = z_ref[0]
    zn = zn_ref[0]
    flat2 = flat + flat
    iota = lax.broadcasted_iota(jnp.int32, (_K_BLK, _TOK_BLK), 0).astype(
        jnp.float32)

    def chunk_step(i, carry):
        best_d, best_i = carry
        chunk = emb_ref[pl.ds(i * _K_BLK, _K_BLK), :]
        en = en_ref[pl.ds(i * _K_BLK, _K_BLK), :]
        m2 = lax.dot_general(chunk, flat2, (((1,), (1,)), ((), ())))
        d = (zn + en) - m2
        cmin = jnp.min(d, axis=0, keepdims=True)
        cidx = jnp.min(jnp.where(d == cmin, iota, float(_BIG)), axis=0,
                       keepdims=True) + (i * _K_BLK).astype(jnp.float32)
        upd = cmin < best_d
        return jnp.where(upd, cmin, best_d), jnp.where(upd, cidx, best_i)

    init = (jnp.full((1, _TOK_BLK), jnp.inf, jnp.float32),
            jnp.full((1, _TOK_BLK), float(_BIG), jnp.float32))
    best_d, best_i = lax.fori_loop(0, _K // _K_BLK, chunk_step, init)
    idx_ref[...] = best_i.astype(jnp.int32)[None]
    partial = jnp.sum(best_d) * (_CF / (_TOK * _D))

    @pl.when(t == 0)
    def _():
        loss_ref[0, 0] = partial

    @pl.when(t != 0)
    def _():
        loss_ref[0, 0] = loss_ref[0, 0] + partial


def _tc_argmin(zn, z, emb, en):
    grid = _TOK // _TOK_BLK
    return pl.pallas_call(
        _tc_body,
        grid=(grid,),
        in_specs=[
            pl.BlockSpec((1, 1, _TOK_BLK), lambda t: (t, 0, 0)),
            pl.BlockSpec((1, _TOK_BLK, _D), lambda t: (t, 0, 0)),
            pl.BlockSpec((_K, _D), lambda t: (0, 0)),
            pl.BlockSpec((_K, 1), lambda t: (0, 0)),
        ],
        out_specs=[
            pl.BlockSpec((1, 1, _TOK_BLK), lambda t: (t, 0, 0)),
            pl.BlockSpec(memory_space=pltpu.SMEM, block_shape=(1, 1),
                         index_map=lambda t: (0, 0)),
        ],
        out_shape=[
            jax.ShapeDtypeStruct((grid, 1, _TOK_BLK), jnp.int32),
            jax.ShapeDtypeStruct((1, 1), jnp.float32),
        ],
    )(zn, z, emb, en)


def _sc_gather_body(idx_hbm, z_hbm, emb_hbm, out_hbm, idx_v, z_v, rows_v,
                    out_v, sem):
    wid = lax.axis_index("s") * _NC + lax.axis_index("c")
    base = wid * _B_W
    pltpu.sync_copy(idx_hbm.at[pl.ds(base, _B_W)], idx_v)
    pltpu.sync_copy(z_hbm.at[pl.ds(base, _B_W)], z_v)
    pltpu.async_copy(emb_hbm.at[idx_v], rows_v, sem).wait()

    def row(r, carry):
        for c in (0, 16):
            q = rows_v[r, pl.ds(c, 16)]
            zz = z_v[r, pl.ds(c, 16)]
            out_v[r, pl.ds(c, 16)] = zz + (q - zz)
        return carry

    lax.fori_loop(0, _B_W, row, 0)
    pltpu.sync_copy(out_v, out_hbm.at[pl.ds(base, _B_W)])


@functools.lru_cache(maxsize=None)
def _make_sc_gather():
    return pl.kernel(
        _sc_gather_body,
        mesh=plsc.VectorSubcoreMesh(core_axis_name="c", subcore_axis_name="s",
                                    num_cores=_NC, num_subcores=_NS),
        out_type=jax.ShapeDtypeStruct((_TOK, _D), jnp.float32),
        scratch_types=[
            pltpu.VMEM((_B_W,), jnp.int32),
            pltpu.VMEM((_B_W, _D), jnp.float32),
            pltpu.VMEM((_B_W, _D), jnp.float32),
            pltpu.VMEM((_B_W, _D), jnp.float32),
            pltpu.SemaphoreType.DMA,
        ],
        compiler_params=pltpu.CompilerParams(use_tc_tiling_on_sc=False),
    )


def kernel(z, emb_weight):
    flat = z.reshape(_TOK, _D)
    zn = (flat ** 2).sum(axis=-1).reshape(_TOK // _TOK_BLK, 1, _TOK_BLK)
    en = (emb_weight ** 2).sum(axis=-1).reshape(_K, 1)
    idx2d, loss = _tc_argmin(zn, z, emb_weight, en)
    idx = idx2d.reshape(_TOK)
    qst = _make_sc_gather()(idx, flat, emb_weight)
    return (qst.reshape(z.shape), idx.reshape(_TOK, 1), loss[0, 0])

# --- scband reference (transcript-rebuilt; emitter-appended) ---
"""Pipeline reference for scband-quantizer-ema-6150393168137 (READ-ONLY COPY).

The authoritative reference and input builder live on the scoring server;
editing this copy changes nothing except your own understanding.
"""

import jax, jax.numpy as jnp
import numpy as np

NUM_ENTRY = 8192
EMBED_DIM = 32
COMMITMENT_FACTOR = 0.1

def setup_inputs(seed: int = 0) -> dict:
    key = jax.random.key(seed)
    k1, k2 = jax.random.split(key)
    z = jax.random.normal(k1, (4, 1024, EMBED_DIM), dtype=jnp.float32)
    emb_weight = jax.random.uniform(k2, (NUM_ENTRY, EMBED_DIM), dtype=jnp.float32,
                                    minval=-1.0 / NUM_ENTRY, maxval=1.0 / NUM_ENTRY)
    return {"z": z, "emb_weight": emb_weight}

def reference(z, emb_weight):
    flat = z.reshape(-1, EMBED_DIM)
    distances = (flat ** 2).sum(axis=-1, keepdims=True) \
        + (emb_weight ** 2).sum(axis=-1) \
        - 2.0 * flat @ emb_weight.T
    closest = jnp.argmin(distances, axis=-1)[:, None]
    quantized_indices = closest
    one_hot_encoding = jax.nn.one_hot(closest[:, 0], NUM_ENTRY, dtype=jnp.float32)
    quantized = (one_hot_encoding @ emb_weight).reshape(z.shape)
    commitment_loss = jnp.mean(
        (jax.lax.stop_gradient(quantized).reshape(-1, EMBED_DIM) - flat) ** 2
    )
    quantized_st = z + jax.lax.stop_gradient(quantized - z)
    loss = commitment_loss * COMMITMENT_FACTOR
    return (quantized_st, quantized_indices, loss)

if __name__ == "__main__":
    import jax
    _d = setup_inputs()
    print(jax.jit(kernel)(*tuple(_d.values())))

</pallas_src>

<mosaic_0001>
#map = affine_map<(d0, d1) -> (0)>
#map1 = affine_map<(d0, d1) -> (0, 0)>
module attributes {stable_mosaic.version = 14 : i64} {
  func.func @_sc_gather_body(%arg0: i32, %arg1: i32, %arg2: memref<4096xi32, #tpu.memory_space<hbm>>, %arg3: memref<4096x32xf32, #tpu.memory_space<hbm>>, %arg4: memref<8192x32xf32, #tpu.memory_space<hbm>>, %arg5: memref<4096x32xf32, #tpu.memory_space<hbm>>, %arg6: memref<128xi32, #tpu.memory_space<vmem>>, %arg7: memref<128x32xf32, #tpu.memory_space<vmem>>, %arg8: memref<128x32xf32, #tpu.memory_space<vmem>>, %arg9: memref<128x32xf32, #tpu.memory_space<vmem>>, %arg10: memref<!tpu.dma_semaphore, #tpu.memory_space<semaphore_mem>>) attributes {dimension_semantics = [#tpu.dimension_semantics<core_parallel>, #tpu.dimension_semantics<subcore_parallel>], iteration_bounds = array<i64: 2, 16>, scalar_prefetch = 0 : i64, scratch_operands = 5 : i64, tpu.core_type = #tpu.core_type<sc_vector_subcore>, window_params = [{transform_indices = #map}, {transform_indices = #map1}, {transform_indices = #map1}, {transform_indices = #map1}]} {
    %mul3A = arith.constant 2 : i32
    %mul3A_0 = arith.muli %arg1, %mul3A : i32
    %add3A = arith.addi %mul3A_0, %arg0 : i32
    %mul3A_1 = arith.constant 128 : i32
    %mul3A_2 = arith.muli %add3A, %mul3A_1 : i32
    "tpu.region"() ({
      %run_scoped3A = tpu.sem_alloc : memref<!tpu.dma_semaphore, #tpu.memory_space<semaphore_mem>>
      %dma_start3A_12 = tpu.memref_slice %arg2[%mul3A_2] : memref<4096xi32, #tpu.memory_space<hbm>> -> memref<128xi32, #tpu.memory_space<hbm>>
      %dma_start3A_13 = tpu.memref_slice %arg2[%mul3A_2] : memref<4096xi32, #tpu.memory_space<hbm>> -> memref<128xi32, #tpu.memory_space<hbm>>
      tpu.enqueue_dma source(%dma_start3A_13 : memref<128xi32, #tpu.memory_space<hbm>>) target(%arg6 : memref<128xi32, #tpu.memory_space<vmem>>) target_semaphore(%run_scoped3A : memref<!tpu.dma_semaphore, #tpu.memory_space<semaphore_mem>>)
      %dma_wait3A_14 = tpu.memref_slice %arg2[%mul3A_2] : memref<4096xi32, #tpu.memory_space<hbm>> -> memref<128xi32, #tpu.memory_space<hbm>>
      %dma_wait3A_15 = tpu.memref_slice %arg2[%mul3A_2] : memref<4096xi32, #tpu.memory_space<hbm>> -> memref<128xi32, #tpu.memory_space<hbm>>
      tpu.wait_dma2 semaphore(%run_scoped3A : memref<!tpu.dma_semaphore, #tpu.memory_space<semaphore_mem>>) src(%dma_wait3A_15 : memref<128xi32, #tpu.memory_space<hbm>>) dst(%arg6 : memref<128xi32, #tpu.memory_space<vmem>>)
      tpu.yield
    }) : () -> ()
    "tpu.region"() ({
      %run_scoped3A = tpu.sem_alloc : memref<!tpu.dma_semaphore, #tpu.memory_space<semaphore_mem>>
      %dma_start3A_12 = arith.constant 0 : i32
      %dma_start3A_13 = tpu.memref_slice %arg3[%mul3A_2, %dma_start3A_12] : memref<4096x32xf32, #tpu.memory_space<hbm>> -> memref<128x32xf32, #tpu.memory_space<hbm>>
      %dma_start3A_14 = arith.constant 0 : i32
      %dma_start3A_15 = tpu.memref_slice %arg3[%mul3A_2, %dma_start3A_14] : memref<4096x32xf32, #tpu.memory_space<hbm>> -> memref<128x32xf32, #tpu.memory_space<hbm>>
      tpu.enqueue_dma source(%dma_start3A_15 : memref<128x32xf32, #tpu.memory_space<hbm>>) target(%arg7 : memref<128x32xf32, #tpu.memory_space<vmem>>) target_semaphore(%run_scoped3A : memref<!tpu.dma_semaphore, #tpu.memory_space<semaphore_mem>>)
      %dma_wait3A_16 = arith.constant 0 : i32
      %dma_wait3A_17 = tpu.memref_slice %arg3[%mul3A_2, %dma_wait3A_16] : memref<4096x32xf32, #tpu.memory_space<hbm>> -> memref<128x32xf32, #tpu.memory_space<hbm>>
      %dma_wait3A_18 = arith.constant 0 : i32
      %dma_wait3A_19 = tpu.memref_slice %arg3[%mul3A_2, %dma_wait3A_18] : memref<4096x32xf32, #tpu.memory_space<hbm>> -> memref<128x32xf32, #tpu.memory_space<hbm>>
      tpu.wait_dma2 semaphore(%run_scoped3A : memref<!tpu.dma_semaphore, #tpu.memory_space<semaphore_mem>>) src(%dma_wait3A_19 : memref<128x32xf32, #tpu.memory_space<hbm>>) dst(%arg7 : memref<128x32xf32, #tpu.memory_space<vmem>>)
      tpu.yield
    }) : () -> ()
    %dma_start3A = arith.constant 0 : i32
    %dma_start3A_3 = arith.constant 0 : i32
    %dma_start3A_4 = tpu.memref_slice %arg4[%dma_start3A, %dma_start3A_3] : memref<8192x32xf32, #tpu.memory_space<hbm>> -> memref<8192x32xf32, #tpu.memory_space<hbm>>
    tpu.enqueue_indirect_dma source(%dma_start3A_4 : memref<8192x32xf32, #tpu.memory_space<hbm>>) target(%arg8 : memref<128x32xf32, #tpu.memory_space<vmem>>) offsets(%arg6 : memref<128xi32, #tpu.memory_space<vmem>>) semaphore(%arg10 : memref<!tpu.dma_semaphore, #tpu.memory_space<semaphore_mem>>)
    %dma_wait3A = arith.constant 0 : i32
    %dma_wait3A_5 = arith.constant 0 : i32
    %dma_wait3A_6 = tpu.memref_slice %arg4[%dma_wait3A, %dma_wait3A_5] : memref<8192x32xf32, #tpu.memory_space<hbm>> -> memref<8192x32xf32, #tpu.memory_space<hbm>>
    tpu.wait_indirect_dma semaphore(%arg10 : memref<!tpu.dma_semaphore, #tpu.memory_space<semaphore_mem>>) src(%dma_wait3A_6 : memref<8192x32xf32, #tpu.memory_space<hbm>>) dst(%arg8 : memref<128x32xf32, #tpu.memory_space<vmem>>)
    %scan3A = arith.constant 0 : i32
    %scan3A_7 = arith.constant 0 : i32
    %scan3A_8 = arith.constant 128 : i32
    %scan3A_9 = arith.addi %scan3A_7, %scan3A_8 : i32
    %scan3A_10 = arith.constant 1 : i32
    scf.for %scan3A_12 = %scan3A_7 to %scan3A_9 step %scan3A_10  : i32 {
      %get3A = arith.index_cast %scan3A_12 : i32 to index
      %get3A_13 = arith.constant 0 : index
      %get3A_14 = tpu.vector_load %arg8[%get3A, %get3A_13] {strides = array<i32>} : memref<128x32xf32, #tpu.memory_space<vmem>>, vector<1x16xf32>,
      %get3A_15 = vector.shape_cast %get3A_14 : vector<1x16xf32> to vector<16xf32>
      %get3A_16 = arith.index_cast %scan3A_12 : i32 to index
      %get3A_17 = arith.constant 0 : index
      %get3A_18 = tpu.vector_load %arg7[%get3A_16, %get3A_17] {strides = array<i32>} : memref<128x32xf32, #tpu.memory_space<vmem>>, vector<1x16xf32>,
      %get3A_19 = vector.shape_cast %get3A_18 : vector<1x16xf32> to vector<16xf32>
      %sub3A = arith.subf %get3A_15, %get3A_19 : vector<16xf32>
      %add3A_20 = arith.addf %get3A_19, %sub3A : vector<16xf32>
      %swap3A = arith.index_cast %scan3A_12 : i32 to index
      %swap3A_21 = arith.constant 0 : index
      %swap3A_22 = tpu.vector_load %arg9[%swap3A, %swap3A_21] {strides = array<i32>} : memref<128x32xf32, #tpu.memory_space<vmem>>, vector<1x16xf32>,
      %swap3A_23 = vector.shape_cast %swap3A_22 : vector<1x16xf32> to vector<16xf32>
      %swap3A_24 = vector.shape_cast %add3A_20 : vector<16xf32> to vector<1x16xf32>
      tpu.vector_store %arg9[%swap3A, %swap3A_21], %swap3A_24 {strides = array<i32>} : memref<128x32xf32, #tpu.memory_space<vmem>>, vector<1x16xf32>,
      %get3A_25 = arith.index_cast %scan3A_12 : i32 to index
      %get3A_26 = arith.constant 16 : index
      %get3A_27 = tpu.vector_load %arg8[%get3A_25, %get3A_26] {strides = array<i32>} : memref<128x32xf32, #tpu.memory_space<vmem>>, vector<1x16xf32>,
      %get3A_28 = vector.shape_cast %get3A_27 : vector<1x16xf32> to vector<16xf32>
      %get3A_29 = arith.index_cast %scan3A_12 : i32 to index
      %get3A_30 = arith.constant 16 : index
      %get3A_31 = tpu.vector_load %arg7[%get3A_29, %get3A_30] {strides = array<i32>} : memref<128x32xf32, #tpu.memory_space<vmem>>, vector<1x16xf32>,
      %get3A_32 = vector.shape_cast %get3A_31 : vector<1x16xf32> to vector<16xf32>
      %sub3A_33 = arith.subf %get3A_28, %get3A_32 : vector<16xf32>
      %add3A_34 = arith.addf %get3A_32, %sub3A_33 : vector<16xf32>
      %swap3A_35 = arith.index_cast %scan3A_12 : i32 to index
      %swap3A_36 = arith.constant 16 : index
      %swap3A_37 = tpu.vector_load %arg9[%swap3A_35, %swap3A_36] {strides = array<i32>} : memref<128x32xf32, #tpu.memory_space<vmem>>, vector<1x16xf32>,
      %swap3A_38 = vector.shape_cast %swap3A_37 : vector<1x16xf32> to vector<16xf32>
      %swap3A_39 = vector.shape_cast %add3A_34 : vector<16xf32> to vector<1x16xf32>
      tpu.vector_store %arg9[%swap3A_35, %swap3A_36], %swap3A_39 {strides = array<i32>} : memref<128x32xf32, #tpu.memory_space<vmem>>, vector<1x16xf32>,
    }
    %scan3A_11 = arith.constant 128 : i32
    "tpu.region"() ({
      %run_scoped3A = tpu.sem_alloc : memref<!tpu.dma_semaphore, #tpu.memory_space<semaphore_mem>>
      %dma_start3A_12 = arith.constant 0 : i32
      %dma_start3A_13 = tpu.memref_slice %arg5[%mul3A_2, %dma_start3A_12] : memref<4096x32xf32, #tpu.memory_space<hbm>> -> memref<128x32xf32, #tpu.memory_space<hbm>>
      %dma_start3A_14 = arith.constant 0 : i32
      %dma_start3A_15 = tpu.memref_slice %arg5[%mul3A_2, %dma_start3A_14] : memref<4096x32xf32, #tpu.memory_space<hbm>> -> memref<128x32xf32, #tpu.memory_space<hbm>>
      tpu.enqueue_dma source(%arg9 : memref<128x32xf32, #tpu.memory_space<vmem>>) target(%dma_start3A_15 : memref<128x32xf32, #tpu.memory_space<hbm>>) target_semaphore(%run_scoped3A : memref<!tpu.dma_semaphore, #tpu.memory_space<semaphore_mem>>)
      %dma_wait3A_16 = arith.constant 0 : i32
      %dma_wait3A_17 = tpu.memref_slice %arg5[%mul3A_2, %dma_wait3A_16] : memref<4096x32xf32, #tpu.memory_space<hbm>> -> memref<128x32xf32, #tpu.memory_space<hbm>>
      %dma_wait3A_18 = arith.constant 0 : i32
      %dma_wait3A_19 = tpu.memref_slice %arg5[%mul3A_2, %dma_wait3A_18] : memref<4096x32xf32, #tpu.memory_space<hbm>> -> memref<128x32xf32, #tpu.memory_space<hbm>>
      tpu.wait_dma2 semaphore(%run_scoped3A : memref<!tpu.dma_semaphore, #tpu.memory_space<semaphore_mem>>) src(%arg9 : memref<128x32xf32, #tpu.memory_space<vmem>>) dst(%dma_wait3A_19 : memref<128x32xf32, #tpu.memory_space<hbm>>)
      tpu.yield
    }) : () -> ()
    return
  }
}

module attributes {stable_mosaic.version = 14 : i64} {
  func.func @_tc_body(%arg0: i32, %arg1: memref<1x1x1024xf32, #tpu.memory_space<vmem>>, %arg2: memref<1x1024x32xf32, #tpu.memory_space<vmem>>, %arg3: memref<8192x32xf32, #tpu.memory_space<vmem>>, %arg4: memref<8192x1xf32, #tpu.memory_space<vmem>>, %arg5: memref<1x1x1024xi32, #tpu.memory_space<vmem>>, %arg6: memref<1x1xf32, #tpu.memory_space<smem>>) attributes {dimension_semantics = [#tpu.dimension_semantics<arbitrary>], iteration_bounds = array<i64: 4>, scalar_prefetch = 0 : i64, scratch_operands = 0 : i64, tpu.core_type = #tpu.core_type<tc>, window_params = [{transform_indices = @transform_0, window_bounds = array<i64: 1, 1, 1024>}, {transform_indices = @transform_1, window_bounds = array<i64: 1, 1024, 32>}, {pipeline_mode = #tpu.pipeline_mode<synchronous>, transform_indices = @transform_2, window_bounds = array<i64: 8192, 32>}, {pipeline_mode = #tpu.pipeline_mode<synchronous>, transform_indices = @transform_3, window_bounds = array<i64: 8192, 1>}, {transform_indices = @transform_4, window_bounds = array<i64: 1, 1, 1024>}, {transform_indices = @transform_5, window_bounds = array<i64: 1, 1>}]} {
    %get3A = arith.constant 0 : index
    %get3A_0 = arith.constant 0 : index
    %get3A_1 = arith.constant 0 : index
    %get3A_2 = vector.load %arg2[%get3A, %get3A_0, %get3A_1] : memref<1x1024x32xf32, #tpu.memory_space<vmem>>, vector<1x1024x32xf32>
    %get3A_3 = vector.shape_cast %get3A_2 : vector<1x1024x32xf32> to vector<1024x32xf32>
    %get3A_4 = arith.constant 0 : index
    %get3A_5 = arith.constant 0 : index
    %get3A_6 = arith.constant 0 : index
    %get3A_7 = vector.load %arg1[%get3A_4, %get3A_5, %get3A_6] : memref<1x1x1024xf32, #tpu.memory_space<vmem>>, vector<1x1x1024xf32>
    %get3A_8 = vector.shape_cast %get3A_7 : vector<1x1x1024xf32> to vector<1x1024xf32>
    %add3A = arith.addf %get3A_3, %get3A_3 : vector<1024x32xf32>
    %iota3A = tpu.iota {dimensions = array<i32: 0>} : vector<1024x1024xi32>
    %convert_element_type3A = arith.sitofp %iota3A : vector<1024x1024xi32> to vector<1024x1024xf32>
    %broadcast_in_dim3A = arith.constant 0x7F800000 : f32
    %broadcast_in_dim3A_9 = vector.broadcast %broadcast_in_dim3A : f32 to vector<1x1024xf32>
    %broadcast_in_dim3A_10 = arith.constant 1.07374182E+9 : f32
    %broadcast_in_dim3A_11 = vector.broadcast %broadcast_in_dim3A_10 : f32 to vector<1x1024xf32>
    %scan3A = arith.constant 0 : i32
    %scan3A_12 = arith.constant 8 : i32
    %scan3A_13 = arith.addi %scan3A, %scan3A_12 : i32
    %scan3A_14 = arith.constant 1 : i32
    %scan3A_15:2 = scf.for %scan3A_34 = %scan3A to %scan3A_13 step %scan3A_14 iter_args(%scan3A_35 = %broadcast_in_dim3A_9, %scan3A_36 = %broadcast_in_dim3A_11) -> (vector<1x1024xf32>, vector<1x1024xf32>)  : i32 {
      %mul3A_37 = arith.constant 1024 : i32
      %mul3A_38 = arith.muli %scan3A_34, %mul3A_37 : i32
      %get3A_39 = arith.index_cast %mul3A_38 : i32 to index
      %get3A_40 = arith.constant 0 : index
      %get3A_41 = vector.load %arg3[%get3A_39, %get3A_40] : memref<8192x32xf32, #tpu.memory_space<vmem>>, vector<1024x32xf32>
      %mul3A_42 = arith.constant 1024 : i32
      %mul3A_43 = arith.muli %scan3A_34, %mul3A_42 : i32
      %get3A_44 = arith.index_cast %mul3A_43 : i32 to index
      %get3A_45 = arith.constant 0 : index
      %get3A_46 = vector.load %arg4[%get3A_44, %get3A_45] : memref<8192x1xf32, #tpu.memory_space<vmem>>, vector<1024x1xf32>
      %dot_general3A = arith.constant dense<0.000000e+00> : vector<1024x1024xf32>
      %dot_general3A_47 = tpu.matmul %get3A_41, %add3A, %dot_general3A {dimension_numbers = #tpu.dot_dimension_numbers<[1], [1], [0], [0], [0, 0, 1, 0], [], []>, transpose_lhs_hint = false} : vector<1024x32xf32>, vector<1024x32xf32>, vector<1024x1024xf32> -> vector<1024x1024xf32>
      %add3A_48 = vector.broadcast %get3A_8 : vector<1x1024xf32> to vector<1024x1024xf32>
      %add3A_49 = vector.broadcast %get3A_46 : vector<1024x1xf32> to vector<1024x1024xf32>
      %add3A_50 = arith.addf %add3A_48, %add3A_49 : vector<1024x1024xf32>
      %sub3A = arith.subf %add3A_50, %dot_general3A_47 : vector<1024x1024xf32>
      %reduce_min3A = arith.constant dense<0x7F800000> : vector<1024xf32>
      %reduce_min3A_51 = vector.multi_reduction <minimumf>, %sub3A, %reduce_min3A [0] : vector<1024x1024xf32> to vector<1024xf32>
      %broadcast_in_dim3A_52 = vector.shape_cast %reduce_min3A_51 : vector<1024xf32> to vector<1x1024xf32>
      %eq3A_53 = vector.broadcast %broadcast_in_dim3A_52 : vector<1x1024xf32> to vector<1024x1024xf32>
      %eq3A_54 = arith.cmpf oeq, %sub3A, %eq3A_53 : vector<1024x1024xf32>
      %jit3A = arith.constant 1.07374182E+9 : f32
      %broadcast_in_dim3A_55 = vector.broadcast %jit3A : f32 to vector<1024x1024xf32>
      %select_n3A = arith.select %eq3A_54, %convert_element_type3A, %broadcast_in_dim3A_55 : vector<1024x1024xi1>, vector<1024x1024xf32>
      %reduce_min3A_56 = arith.constant dense<0x7F800000> : vector<1024xf32>
      %reduce_min3A_57 = vector.multi_reduction <minimumf>, %select_n3A, %reduce_min3A_56 [0] : vector<1024x1024xf32> to vector<1024xf32>
      %broadcast_in_dim3A_58 = vector.shape_cast %reduce_min3A_57 : vector<1024xf32> to vector<1x1024xf32>
      %mul3A_59 = arith.constant 1024 : i32
      %mul3A_60 = arith.muli %scan3A_34, %mul3A_59 : i32
      %convert_element_type3A_61 = arith.sitofp %mul3A_60 : i32 to f32
      %add3A_62 = vector.broadcast %convert_element_type3A_61 : f32 to vector<1x1024xf32>
      %add3A_63 = arith.addf %broadcast_in_dim3A_58, %add3A_62 : vector<1x1024xf32>
      %lt3A = arith.cmpf olt, %broadcast_in_dim3A_52, %scan3A_35 : vector<1x1024xf32>
      %select_n3A_64 = arith.select %lt3A, %broadcast_in_dim3A_52, %scan3A_35 : vector<1x1024xi1>, vector<1x1024xf32>
      %select_n3A_65 = arith.select %lt3A, %add3A_63, %scan3A_36 : vector<1x1024xi1>, vector<1x1024xf32>
      scf.yield %select_n3A_64, %select_n3A_65 : vector<1x1024xf32>, vector<1x1024xf32>
    }
    %scan3A_16 = arith.constant 8 : i32
    %convert_element_type3A_17 = arith.fptosi %scan3A_15#1 : vector<1x1024xf32> to vector<1x1024xi32>
    %broadcast_in_dim3A_18 = vector.shape_cast %convert_element_type3A_17 : vector<1x1024xi32> to vector<1x1x1024xi32>
    %swap3A = arith.constant 0 : index
    %swap3A_19 = arith.constant 0 : index
    %swap3A_20 = arith.constant 0 : index
    %swap3A_21 = vector.load %arg5[%swap3A, %swap3A_19, %swap3A_20] : memref<1x1x1024xi32, #tpu.memory_space<vmem>>, vector<1x1x1024xi32>
    tpu.vector_store %arg5[%swap3A, %swap3A_19, %swap3A_20], %broadcast_in_dim3A_18 {strides = array<i32>} : memref<1x1x1024xi32, #tpu.memory_space<vmem>>, vector<1x1x1024xi32>,
    %reduce_sum3A = vector.shape_cast %scan3A_15#0 : vector<1x1024xf32> to vector<1x1x1024xf32>
    %reduce_sum3A_22 = arith.constant dense<0.000000e+00> : vector<1xf32>
    %reduce_sum3A_23 = vector.multi_reduction <add>, %reduce_sum3A, %reduce_sum3A_22 [1, 2] : vector<1x1x1024xf32> to vector<1xf32>
    %reduce_sum3A_24 = vector.shape_cast %reduce_sum3A_23 : vector<1xf32> to vector<1x1x1xf32>
    %reduce_sum3A_25 = vector.extract %reduce_sum3A_24[0, 0, 0] : f32 from vector<1x1x1xf32>
    %mul3A = arith.constant 7.62939464E-7 : f32
    %mul3A_26 = arith.mulf %reduce_sum3A_25, %mul3A : f32
    %eq3A = arith.constant 0 : i32
    %eq3A_27 = arith.cmpi eq, %arg0, %eq3A : i32
    %convert_element_type3A_28 = arith.extui %eq3A_27 : i1 to i32
    %cond3A = arith.constant 0 : i32
    %cond3A_29 = arith.cmpi ne, %convert_element_type3A_28, %cond3A : i32
    scf.if %cond3A_29 {
      %swap3A_34 = arith.constant 0 : index
      %swap3A_35 = arith.constant 0 : index
      %swap3A_36 = memref.load %arg6[%swap3A_34, %swap3A_35] : memref<1x1xf32, #tpu.memory_space<smem>>
      memref.store %mul3A_26, %arg6[%swap3A_34, %swap3A_35] : memref<1x1xf32, #tpu.memory_space<smem>>
    } else {
    }
    %ne3A = arith.constant 0 : i32
    %ne3A_30 = arith.cmpi ne, %arg0, %ne3A : i32
    %convert_element_type3A_31 = arith.extui %ne3A_30 : i1 to i32
    %cond3A_32 = arith.constant 0 : i32
    %cond3A_33 = arith.cmpi ne, %convert_element_type3A_31, %cond3A_32 : i32
    scf.if %cond3A_33 {
      %get3A_34 = arith.constant 0 : index
      %get3A_35 = arith.constant 0 : index
      %get3A_36 = memref.load %arg6[%get3A_34, %get3A_35] : memref<1x1xf32, #tpu.memory_space<smem>>
      %add3A_37 = arith.addf %get3A_36, %mul3A_26 : f32
      %swap3A_38 = arith.constant 0 : index
      %swap3A_39 = arith.constant 0 : index
      %swap3A_40 = memref.load %arg6[%swap3A_38, %swap3A_39] : memref<1x1xf32, #tpu.memory_space<smem>>
      memref.store %add3A_37, %arg6[%swap3A_38, %swap3A_39] : memref<1x1xf32, #tpu.memory_space<smem>>
    } else {
    }
    return
  }
  func.func @transform_0(%arg0: i32) -> (i32, i32, i32) {
    %c0_i32 = arith.constant 0 : i32
    %c0_i32_0 = arith.constant 0 : i32
    %c0_i32_1 = arith.constant 0 : i32
    return %arg0, %c0_i32, %c0_i32_0 : i32, i32, i32
  }
  func.func @transform_1(%arg0: i32) -> (i32, i32, i32) {
    %c0_i32 = arith.constant 0 : i32
    %c0_i32_0 = arith.constant 0 : i32
    %c0_i32_1 = arith.constant 0 : i32
    return %arg0, %c0_i32, %c0_i32_0 : i32, i32, i32
  }
  func.func @transform_2(%arg0: i32) -> (i32, i32) {
    %c0_i32 = arith.constant 0 : i32
    %c0_i32_0 = arith.constant 0 : i32
    %c0_i32_1 = arith.constant 0 : i32
    return %c0_i32, %c0_i32_0 : i32, i32
  }
  func.func @transform_3(%arg0: i32) -> (i32, i32) {
    %c0_i32 = arith.constant 0 : i32
    %c0_i32_0 = arith.constant 0 : i32
    %c0_i32_1 = arith.constant 0 : i32
    return %c0_i32, %c0_i32_0 : i32, i32
  }
  func.func @transform_4(%arg0: i32) -> (i32, i32, i32) {
    %c0_i32 = arith.constant 0 : i32
    %c0_i32_0 = arith.constant 0 : i32
    %c0_i32_1 = arith.constant 0 : i32
    return %arg0, %c0_i32, %c0_i32_0 : i32, i32, i32
  }
  func.func @transform_5(%arg0: i32) -> (i32, i32) {
    %c0_i32 = arith.constant 0 : i32
    %c0_i32_0 = arith.constant 0 : i32
    %c0_i32_1 = arith.constant 0 : i32
    return %c0_i32, %c0_i32_0 : i32, i32
  }
}

</mosaic_0001>

<sc_bundles>
// kernel: kernel.4.cloned.1.call-start
scs
__scs_entry_jumppad:
0x0: {  	(pc) =	sbr.rel $0x88, $3  }
0x1: {  	(tag) =	ssettag $0x0;
	lr =	simm.s32 $0x1  }
0x2: {  	[smem:$0x3F9F] =	sst lr;
	_ =	strace $0xD0000000  }
0x3: {  	_ = 	snop  }
0x4: {  	_ = 	snop  }
0x5: {  	_ = 	snop  }
0x6: {  	_ = 	snop  }
0x7: {  	_ = 	snop  }
__scs_overlays_trampoline_lowered:
0x8: {  	[smem:$0x3FAE] =	sst s0  }
0x9: {  	[smem:$0x3FAF] =	sst s1  }
0xa: {  	[smem:$0x3FB0] =	sst s2  }
0xb: {  	[smem:$0x3FB1] =	sst s3  }
0xc: {  	[smem:$0x3FB2] =	sst s4  }
0xd: {  	[smem:$0x3FB3] =	sst s5  }
0xe: {  	[smem:$0x3FB4] =	sst s6  }
0xf: {  	[smem:$0x3FB5] =	sst s7  }
0x10: {  	[smem:$0x3FB6] =	sst s8  }
0x11: {  	[smem:$0x3FB7] =	sst s9;
	s0 =	simm.s32 @!p0 $0x0  }
0x12: {  	s1 =	sld [smem:$0x3F9D];
	s0 =	simm.s32 @p0 $0x1  }
0x13: {  	[smem:$0x3FB8] =	sst s0;
	s0 =	simm.s32 @!p1 $0x0  }
0x14: {  	s2 =	sld [smem:$0x3F9C];
	s0 =	simm.s32 @p1 $0x1  }
0x15: {  	[smem:$0x3FB9] =	sst s0;
	s0 =	simm.s32 @!p2 $0x0  }
0x16: {  	s3 =	sld [smem:$0x3FDB];
	s0 =	simm.s32 @p2 $0x1  }
0x17: {  	s4 =	simm.s32 $0x1BF5;
	[smem:$0x3FBB] =	sst s0  }
0x18: {  	s0 =	sld [smem:$0x3F9E];
	_ =	swait.ge [sflag:s4], $0x0  }
0x19: {  	s7 =	sld [smem:$0x3F9F]  }
0x1a: {  	s8 =	sadd.s32 $0xFFFFE003, lr  }
0x1b: {  	s9 =	sadd.s32 $0xFFFFFEF7, lr;
	s5 =	simm.s32 $0xFFFFFFFF;
	p2 =	slt.u32 s8, $0xFFFFF086  }
0x1c: {  	p1 =	slt.u32 s9, $0xF7A;
	s5 =	simm.s32 @!p2 $0x0  }
0x1d: {  	s5 =	simm.s32 @p1 $0x1;
	p0 =	seq.s32 s7, s2  }
0x1e: {  	s7 =	smul.u32 @!p0 $0xF7A, s2;
	p2 =	seq.s32 @!p0 s5, $0x0  }
0x1f: {  	s9 =	smul.u32 $0xF7A, s1;
	s8 =	simm.s32 @!p0 $0x1BF5;
	p2 =	por !p2, p0  }
0x20: {  	[sflag:s8] =	ssyncset.s32 @!p0 $0xFFFFF086;
	s6 =	sadd.s32 @!p0 s3, s7;
	s7 =	simm.s32 @!p0 $0x108  }
0x21: {  	s3 =	sadd.s32 s3, s9;
	s6 =	sadd.s32 @!p0 $0x88, s6;
	s7 =	simm.s32 @p2 $0x1082  }
0x22: {  	[simem:s7], [sflag:s8] =	dma.local @!p0 [hbm:s6], $0xF7A  }
0x23: {  	s9 =	sor.u32 $0xD0000000, s2;
	s6 =	simm.s32 $0x108;
	_ =	swait.ge @!p0 [sflag:s8], $0x0  }
0x24: {  	s3 =	sadd.s32 $0x88, s3;
	s6 =	simm.s32 @!p1 $0x1082;
	[sflag:s4] =	ssyncset.s32 $0xFFFFF086  }
0x25: {  	[simem:s6], [sflag:s4] =	dma.local [hbm:s3], $0xF7A  }
0x26: {  	[smem:$0x3F9F] =	sst s1;
	(tag) =	ssettag s2;
	_ =	strace s9  }
0x27: {  	s1 =	sld [smem:$0x3FAF]  }
0x28: {  	s2 =	sld [smem:$0x3FB0]  }
0x29: {  	s4 =	sld [smem:$0x3FB2]  }
0x2a: {  	p0 =	seq.s32 s5, $0x0;
	s5 =	sld [smem:$0x3FB3]  }
0x2b: {  	s6 =	sld [smem:$0x3FB4]  }
0x2c: {  	s7 =	sld [smem:$0x3FB5]  }
0x2d: {  	s3 =	simm.s32 $0x108;
	s8 =	sld [smem:$0x3FB6]  }
0x2e: {  	s3 =	simm.s32 @!p0 $0x1082;
	s9 =	sld [smem:$0x3FB7]  }
0x2f: {  	lr =	sadd.s32 s0, s3;
	s0 =	sld [smem:$0x3FAE]  }
0x30: {  	s3 =	sld [smem:$0x3FB1]  }
0x31: {  	[smem:$0x3FBA] =	sst s10  }
0x32: {  	s10 =	sld [smem:$0x3FB8];
	_ =	sdelay $0x3  }
0x33: {  	p0 =	seq.s32 s10, $0x1;
	s10 =	sld [smem:$0x3FBA];
	_ =	sdelay $0x3  }
0x34: {  	[smem:$0x3FBA] =	sst s10  }
0x35: {  	s10 =	sld [smem:$0x3FB9];
	_ =	sdelay $0x3  }
0x36: {  	p1 =	seq.s32 s10, $0x1;
	s10 =	sld [smem:$0x3FBA];
	_ =	sdelay $0x3  }
0x37: {  	[smem:$0x3FBA] =	sst s10  }
0x38: {  	s10 =	sld [smem:$0x3FBB]  }
0x39: {  	_ = 	snop;
	(pc) =	sbr.ind lr, $3  }
0x3a: {  	_ = 	snop  }
0x3b: {  	_ = 	snop  }
0x3c: {  	p2 =	seq.s32 s10, $0x1;
	s10 =	sld [smem:$0x3FBA]  }
0x3d: {  	_ =	shalt  }
0x3e: {  	_ =	shalt  }
0x3f: {  	_ =	shalt  }
0x40: {  	_ =	shalt  }
0x41: {  	_ =	shalt  }
0x42: {  	_ =	shalt  }
0x43: {  	_ =	shalt  }
0x44: {  	_ =	shalt  }
0x45: {  	_ =	shalt  }
0x46: {  	_ =	shalt  }
0x47: {  	_ =	shalt  }
0x48: {  	_ =	shalt  }
0x49: {  	_ =	shalt  }
0x4a: {  	_ =	shalt  }
0x4b: {  	_ =	shalt  }
0x4c: {  	_ =	shalt  }
0x4d: {  	_ =	shalt  }
0x4e: {  	_ =	shalt  }
0x4f: {  	_ =	shalt  }
0x50: {  	_ =	shalt  }
0x51: {  	_ =	shalt  }
0x52: {  	_ =	shalt  }
0x53: {  	_ =	shalt  }
0x54: {  	_ =	shalt  }
0x55: {  	_ =	shalt  }
0x56: {  	_ =	shalt  }
0x57: {  	_ =	shalt  }
0x58: {  	_ =	shalt  }
0x59: {  	_ =	shalt  }
0x5a: {  	_ =	shalt  }
0x5b: {  	_ =	shalt  }
0x5c: {  	_ =	shalt  }
0x5d: {  	_ =	shalt  }
0x5e: {  	_ =	shalt  }
0x5f: {  	_ =	shalt  }
0x60: {  	_ =	shalt  }
0x61: {  	_ =	shalt  }
0x62: {  	_ =	shalt  }
0x63: {  	_ =	shalt  }
0x64: {  	_ =	shalt  }
0x65: {  	_ =	shalt  }
0x66: {  	_ =	shalt  }
0x67: {  	_ =	shalt  }
0x68: {  	_ =	shalt  }
0x69: {  	_ =	shalt  }
0x6a: {  	_ =	shalt  }
0x6b: {  	_ =	shalt  }
0x6c: {  	_ =	shalt  }
0x6d: {  	_ =	shalt  }
0x6e: {  	_ =	shalt  }
0x6f: {  	_ =	shalt  }
0x70: {  	_ =	shalt  }
0x71: {  	_ =	shalt  }
0x72: {  	_ =	shalt  }
0x73: {  	_ =	shalt  }
0x74: {  	_ =	shalt  }
0x75: {  	_ =	shalt  }
0x76: {  	_ =	shalt  }
0x77: {  	_ =	shalt  }
0x78: {  	_ =	shalt  }
0x79: {  	_ =	shalt  }
0x7a: {  	_ =	shalt  }
0x7b: {  	_ =	shalt  }
0x7c: {  	_ =	shalt  }
0x7d: {  	_ =	shalt  }
0x7e: {  	_ =	shalt  }
0x7f: {  	_ =	shalt  }
0x80: {  	_ =	shalt  }
0x81: {  	_ =	shalt  }
0x82: {  	_ =	shalt  }
0x83: {  	_ =	shalt  }
0x84: {  	_ =	shalt  }
0x85: {  	_ =	shalt  }
0x86: {  	_ =	shalt  }
0x87: {  	_ =	shalt  }
.Lfunc_end0:
.L_simem_size_0:
called_computation_lowered:
.L_overlay_start_0:
0x88: {  	s2 =	sld [smem:$0x3FD9]  }
0x89: {  	s3 =	sld [smem:$0x3FFE];
	_ =	sdelay $0x1  }
0x8a: {  	s1 =	srdreg.scid  }
0x8b: {  	s0 =	sand.u32 $0x1, s1  }
0x8c: {  	s14 =	sshll.u32 s0, $0xA;
	s2 =	sadd.s32 s3, s2  }
0x8d: {  	s2 =	sadd.s32 s2, s14  }
0x8e: {  	[smem:$0x3FC6] =	sst s2  }
0x8f: {  	_ = 	snop  }
0x90: {  	s2 =	sld [smem:$0x3FD0];
	_ =	sdelay $0x2  }
0x91: {  	s15 =	simm.s32 $0xA;
	s4 =	simm.s32 $0x10  }
0x92: {  	[smem:s4], [sflag:s15] =	dma.local [hbm:s2], $0x1  }
0x93: {  	_ =	swait.eq [sflag:s15], $0x1  }
0x94: {  	[sflag:s15] =	ssyncset.done $0x0  }
0x95: {  	s16 =	sld [smem:$0x10];
	[sflag:s15] =	ssyncadd.s32 $0xFFFFFFFF  }
0x96: {  	s17 =	sld [smem:$0x11];
	(tm) =	ssettm $0x1  }
0x97: {  	s18 =	sld [smem:$0x3FFB];
	_ =	sdelay $0x3  }
0x98: {  	_ =	strace s18  }
0x99: {  	s4 =	sld [smem:$0x3FFC];
	_ =	sdelay $0x3  }
0x9a: {  	_ =	strace s4  }
0x9b: {  	s4 =	sld [smem:$0x3FFD];
	_ =	sdelay $0x3  }
0x9c: {  	_ =	strace s4  }
0x9d: {  	_ =	strace $0x8FFFFFFF  }
0x9e: {  	s19 =	sld [smem:$0x3FDB];
	_ =	sdelay $0x1  }
0x9f: {  	s5 =	simm.s32 $_scs_section_size  }
0xa0: {  	s6 =	simm.s32 $_size__tile_overlayer_lowered;
	s7 =	simm.s32 $_tile_overlayer_lowered  }
0xa1: {  	s22 =	simm.s32 $0x1BFF;
	s21 =	sshll.u32 s7, $0x1;
	s4 =	sadd.s32 s5, s19  }
0xa2: {  	s8 =	simm.s32 $0x0;
	s20 =	sshll.u32 s6, $0x1;
	s6 =	sadd.s32 s21, s4  }
0xa3: {  	[timem:s8], [sflag:s22] =	dma.local [hbm:s6], s20  }
0xa4: {  	_ =	swait.ge [sflag:s22], s20  }
0xa5: {  	s5 =	ssub.s32 $0x0, s20;
	[sflag:s22] =	ssyncset.done $0x0  }
0xa6: {  	[sflag:s22] =	ssyncadd.s32 s5;
	_ =	sdelay $0x1  }
0xa7: {  	s23 =	simm.s32 $0x1B8B  }
0xa8: {  	_ =	swait.ge [sflag:s23], $0x1  }
0xa9: {  	[sflag:s23] =	ssyncset.done $0x0  }
0xaa: {  	s25 =	simm.s32 $0x1B8E;
	s24 =	sld [smem:$0x3FFE];
	[sflag:s23] =	ssyncadd.s32 $0xFFFFFFFF  }
0xab: {  	s26 =	simm.s32 $execute0_lowered;
	[smem:$0x3FD2] =	sst s25  }
0xac: {  	s6 =	sshll.u32 s26, $0x1;
	_ =	strace $0x80000046;
	[dreg:$0x1] =	wrdreg $0xFFFFFFFF  }
0xad: {  	s28 =	simm.s32 $_size_execute0_lowered;
	s4 =	sadd.s32 s4, s6;
	[dreg:$0x0] =	wrdreg $0x0  }
0xae: {  	s6 =	sshll.u32 s28, $0x1;
	[dreg:$0x2] =	wrdreg s4  }
0xaf: {  	[dreg:$0x3] =	wrdreg s6  }
0xb0: {  	[dreg:$0x4] =	wrdreg $0xC0  }
0xb1: {  	_ =	task [dreg:s8], $0x5FFFF  }
0xb2: {  	[dreg:$0x1] =	wrdreg $0xFFFFFFFF  }
0xb3: {  	[dreg:$0x0] =	wrdreg $0x60  }
0xb4: {  	[dreg:$0x2] =	wrdreg s17  }
0xb5: {  	[dreg:$0x3] =	wrdreg s16  }
0xb6: {  	[dreg:$0x4] =	wrdreg s24  }
0xb7: {  	[dreg:$0x5] =	wrdreg $0x9  }
0xb8: {  	_ =	task.clear_ibuf [dreg:s8], $0x6FFFF;
	_ =	strace $0x90000046  }
0xb9: {  	s29 =	simm.s32 $0x9;
	_ =	strace $0x80000048  }
0xba: {  	_ =	swait.ge [sflag:s29], $0x1  }
0xbb: {  	[sflag:s29] =	ssyncadd.s32 $0xFFFFFFFF  }
0xbc: {  	_ =	strace $0x90000048  }
0xbd: {  	_ =	sfence  }
0xbe: {  	s30 =	sld [smem:$0x0];
	_ =	sdelay $0x2  }
0xbf: {  	s31 =	sshll.u32 s1, $0xD;
	s1 =	sshrl.u32 s1, $0x2  }
0xc0: {  	s3 =	sand.u32 $0x4000, s31;
	s1 =	sadd.s32 s1, s30  }
0xc1: {  	s0 =	sor.u32 s3, s0;
	s1 =	sshll.u32 s1, $0x11  }
0xc2: {  	s0 =	sor.u32 s1, s0  }
0xc3: {  	s0 =	sadd.s32 $0x8F2B, s0  }
0xc4: {  	[sflag:s0] =	ssyncadd.remote.s32 $0x1  }
0xc5: {  	_ =	sfence.sel $0xFFFF  }
0xc6: {  	[dreg:$0x0] =	wrdreg $0xFFFFFFFF;
	(pc) =	sbr.abs _section_cstart, $3  }
0xc7: {  	[dreg:$0x1] =	wrdreg $0xFFFFFFFF  }
0xc8: {  	_ =	task.clear_ibuf [dreg:s8], $0x2FFFF;
	_ =	strace $0x9FFFFFFF  }
0xc9: {  	(tm) =	ssettm $0x7FFFFFFF  }
tec
execute0_lowered:
.L_overlay_start_1:
0x0: {  	(tag) =	ssettag $0x1  }
0x1: {  	s4 =	rddreg [dreg:$0x0]  }
0x2: {  	s5 =	rddreg [dreg:$0x1]  }
0x3: {  	s2 =	rddreg [dreg:$0x2]  }
0x4: {  	s0 =	rddreg [dreg:$0x3];
	s6 =	srdreg.scid  }
0x5: {  	s3 =	simm.s32 $0x0;
	s1 =	stileid.u32;
	s11 =	simm.s32 $0x1  }
0x6: {  	s12 =	simm.s32 $0x2080;
	s13 =	simm.s32 $0x0;
	s6 =	sand.u32 $0x1, s6  }
0x7: {  	[smem:$0x7FF] =	sst s3;
	s7 =	sshll.u32 s1, $0x8;
	s8 =	sshll.u32 s6, $0x7  }
0x8: {  	_ =	strace $0x80000047;
	s6 =	ssub.s32 $0x2, s6;
	s7 =	sor.u32 s8, s7  }
0x9: {  	s9 =	sshrl.u32 s6, $0x1;
	s8 =	sshll.u32 s7, $0x2;
	s7 =	sshrl.u32 s7, $0x3  }
0xa: {  	s9 =	ssub.s32 s6, s9;
	s10 =	sadd.s32 s8, s2;
	s4 =	sadd.s32 s4, s7  }
0xb: {  	s5 =	sadd.s32 s5, s8;
	s7 =	smax.u32 s9, $0x1;
	s8 =	simm.s32 $0x2  }
0xc: {  	s9 =	simm.s32 $0x80;
	s6 =	sadd.s32 $0x8000, s10;
	s10 =	simm.s32 $0x1080  }
.LBB2_1:
0xd: {  	[tilespmem:s3], [sflag:$0x2] =	stream.linear.gather [hbm4b:s4+s3], $0x80, $0x38;
	[tilespmem:$0x3080] =	vst v63  }
0xe: {  	_ =	swait.ge [sflag:s8], $0x80  }
0xf: {  	[sflag:s8] =	ssyncset.done $0x0  }
0x10: {  	[sflag:s8] =	ssyncadd.s32 $0xFFFFFF80  }
0x11: {  	[tilespmem:s9], [sflag:$0x2] =	stream.linear.gather [hbm4b:s5+s3], $0x1000, $0x38;
	[tilespmem:$0x3080] =	vst v63  }
0x12: {  	_ =	swait.ge [sflag:s8], $0x1000  }
0x13: {  	[sflag:s8] =	ssyncset.done $0x0  }
0x14: {  	[sflag:s8] =	ssyncadd.s32 $0xFFFFF000  }
0x15: {  	[tilespmem:s10], [sflag:$0x1] =	stream.indirect.gather [hbm4b:s2+s9], $0x20, s3, s9, $0xb8;
	[tilespmem:$0x3080] =	vst v63  }
0x16: {  	_ =	swait.ge [sflag:s11], $0x1000  }
0x17: {  	[sflag:s11] =	ssyncset.done $0x0  }
0x18: {  	s15 =	simm.s32 $0x0;
	[sflag:s11] =	ssyncadd.s32 $0xFFFFF000  }
0x19: {  	v1 =	vld [tilespmem:s15+$0x1090]  }
0x1a: {  	v3 =	vld [tilespmem:s15+$0x90]  }
0x1b: {  	v4 =	vld [tilespmem:s15+$0x1080]  }
0x1c: {  	v5 =	vld [tilespmem:s15+$0x80];
	_ =	sdelay $0x1  }
0x1d: {  	s14 =	simm.s32 $0x20  }
0x1e: {  	v0 =	vld [tilespmem:s14+$0x1090];
	v6 =	vsub.f32 v1, v3  }
0x1f: {  	v1 =	vld [tilespmem:s14+$0x90]  }
0x20: {  	v2 =	vld [tilespmem:s14+$0x1080];
	v4 =	vsub.f32 v4, v5;
	v6 =	vadd.f32 v6, v3  }
0x21: {  	v3 =	vld [tilespmem:s14+$0x80]  }
0x22: {  	s16 =	simm.s32 $0x100;
	v4 =	vadd.f32 v4, v5;
	[tilespmem:s15+$0x2090] =	vst v6  }
.LBB2_2:
0x23: {  	s17 =	sshra.s32 s16, $0x2;
	p0 =	sne.s32 s16, $0x3F80  }
.Ltmp0:
0x24: {  	s16 =	sadd.s32 $0x80, s16;
	v5 =	vsub.f32 v0, v1;
	v0 =	vld [tilespmem:s17+$0x1090];
	[tilespmem:s15+$0x2080] =	vst v4;
	v7 =	vmov v1;
	(pc) =	sbr.rel @p0 .LBB2_2-.Ltmp0, $4  }
0x25: {  	s15 =	smov.u32 s14;
	s14 =	smov.u32 s17;
	v1 =	vld [tilespmem:s17+$0x90]  }
0x26: {  	v6 =	vsub.f32 v2, v3;
	v2 =	vld [tilespmem:s14+$0x1080];
	v5 =	vadd.f32 v5, v7;
	v4 =	vmov v3  }
0x27: {  	v3 =	vld [tilespmem:s14+$0x80]  }
0x28: {  	v4 =	vadd.f32 v6, v4;
	[tilespmem:s15+$0x2090] =	vst v5  }
0x29: {  	_ =	sdelay $0x1  }
0x2a: {  	v0 =	vsub.f32 v0, v1  }
0x2b: {  	v2 =	vsub.f32 v2, v3  }
0x2c: {  	v0 =	vadd.f32 v0, v1  }
0x2d: {  	s13 =	sadd.s32 $0x1, s13;
	[tilespmem:s15+$0x2080] =	vst v4;
	v63 =	vadd.f32 v2, v3  }
0x2e: {  	p0 =	sne.s32 s13, s7;
	[tilespmem:s14+$0x2090] =	vst v0  }
.Ltmp1:
0x2f: {  	[tilespmem:s14+$0x2080] =	vst v63;
	(pc) =	sbr.rel @p0 .LBB2_1-.Ltmp1, $4  }
0x30: {  	[hbm4b:s6+s3] =	stream.linear.scatter [tilespmem:s12], [sflag:$0x2], $0x1000, $0x38;
	[tilespmem:$0x3080] =	vst v63  }
0x31: {  	_ =	swait.ge [sflag:s8], $0x1000  }
0x32: {  	[sflag:s8] =	ssyncset.done $0x0  }
0x33: {  	[sflag:s8] =	ssyncadd.s32 $0xFFFFF000  }
0x34: {  	_ =	sfence.sel $0x180000  }
0x35: {  	[bflag:$0x0] =	sbarrier.arrive $0xFFFF  }
0x36: {  	p0 =	sne.s32 s1, $0x0;
	_ =	strace $0x90000047  }
0x37: {  	s0 =	sadd.s32 @!p0 $0x100000, s0;
	[bflag:$0x2] =	sbarrier.arrive $0xFFFF  }
0x38: {  	[sflag:s0] =	ssyncadd.tile.s32 @!p0 $0x1;
	_ =	shalt  }
.Lfunc_end2:
_tile_overlayer_lowered:
.L_overlay_start_2:
0x39: {  	(tag) =	ssettag $0x2  }
0x3a: {  	s0 =	rddreg [dreg:$0x0];
	s2 =	stileid.u32  }
0x3b: {  	s1 =	rddreg [dreg:$0x1];
	p0 =	sne.s32 s2, $0x0  }
0x3c: {  	s3 =	rddreg [dreg:$0x2];
	[bflag:$0x3] =	sbarrier.arrive $0xFFFF;
	s2 =	simm.s32 @!p0 $0x1C02  }
0x3d: {  	[timem:s3], [sflag:s2] =	dma.local @!p0 [hbm:s0], s1  }
0x3e: {  	s0 =	simm.s32 @!p0 $0x2  }
0x3f: {  	_ =	swait.ge @!p0 [sflag:s0], s1  }
0x40: {  	s1 =	ssub.s32 @!p0 $0x0, s1;
	[sflag:s0] =	ssyncset.done @!p0 $0x0  }
0x41: {  	[sflag:s0] =	ssyncadd.s32 @!p0 s1  }
0x42: {  	[bflag:$0x3] =	sbarrier.arrive $0xFFFF  }
0x43: {  	_ =	shalt  }

</sc_bundles>
